<compile_context>
chip_gen: v7x
topology: tpu7x:2x2x1
jax: 0.10.2.dev20260603
libtpu: 0.0.44.dev20260713+nightly
codegen_flags: <defaults>
</compile_context>

<pallas_src>
import functools

import jax
import jax.numpy as jnp
from jax import lax
from jax.experimental import pallas as pl
from jax.experimental.pallas import tpu as pltpu
from jax.experimental.pallas import tpu_sc as plsc

B, L, D = 2, 512, 128
MAXPOS = 31
NBIN = 63
P = B * L * L
NW = 32
PER_W = P // NW
C = 128
NCH = PER_W // C


def _prologue_body(idx_row_ref, idx_col_ref, sc_ref, w_emb_ref, w_chain_ref,
                   w_proj_ref, seq_ref, t_ref):
    row = idx_row_ref[0]
    col = idx_col_ref[0]
    s = jnp.clip(row - col + MAXPOS, 0, NBIN - 1)
    sc = sc_ref[0]
    seq_ref[0] = s * sc + NBIN * (1 - sc)

    @pl.when(pl.program_id(0) == 0)
    def _():
        wp1 = w_proj_ref[0:D, :]
        wp2 = w_proj_ref[D:2 * D, :]
        t1 = jnp.dot(w_emb_ref[...], wp1, preferred_element_type=jnp.float32)
        t2 = jnp.dot(w_chain_ref[...], wp2,
                     preferred_element_type=jnp.float32)
        is_inter = lax.broadcasted_iota(jnp.int32, (NBIN + 1, 1), 0) == NBIN
        t_ref[...] = t1 + jnp.where(is_inter, t2[0:1, :], t2[1:2, :])


NBUF = 4


def _make_sc_gather():
    mesh = plsc.VectorSubcoreMesh(core_axis_name="c", subcore_axis_name="s")

    @functools.partial(
        pl.kernel,
        mesh=mesh,
        out_type=jax.ShapeDtypeStruct((P, D), jnp.float32),
        scratch_types=[
            pltpu.VMEM((NBIN + 1, D), jnp.float32),
            pltpu.VMEM_SHARED((NBIN + 1, D), jnp.float32),
            pltpu.VMEM((PER_W,), jnp.int32),
        ]
        + [pltpu.VMEM((C, D), jnp.float32)] * NBUF
        + [pltpu.SemaphoreType.DMA] * (2 * NBUF + 1),
        compiler_params=pltpu.CompilerParams(needs_layout_passes=False),
    )
    def gather(table_hbm, seq_hbm, out_hbm, table_v, table_sh, idx_all, *bufs):
        rows = bufs[:NBUF]
        gsem = bufs[NBUF:2 * NBUF]
        ssem = bufs[2 * NBUF:3 * NBUF]
        isem = bufs[3 * NBUF]
        wid = lax.axis_index("s") * 2 + lax.axis_index("c")
        base = wid * PER_W

        def start_gather(g, slot):
            pltpu.async_copy(table_sh.at[idx_all.at[pl.ds(g * C, C)]],
                             rows[slot], gsem[slot])

        def wait_gather(g, slot):
            pltpu.make_async_copy(table_sh.at[idx_all.at[pl.ds(g * C, C)]],
                                  rows[slot], gsem[slot]).wait()

        def start_scatter(g, slot):
            pltpu.async_copy(rows[slot],
                             out_hbm.at[pl.ds(base + g * C, C)], ssem[slot])

        def wait_scatter(g, slot):
            pltpu.make_async_copy(rows[slot],
                                  out_hbm.at[pl.ds(base + g * C, C)],
                                  ssem[slot]).wait()

        pltpu.async_copy(seq_hbm.at[pl.ds(base, PER_W)], idx_all, isem)

        @pl.when(lax.axis_index("s") == 0)
        def _():
            pltpu.sync_copy(table_hbm, table_v)
            pltpu.sync_copy(table_v, table_sh)

        plsc.subcore_barrier()
        pltpu.make_async_copy(seq_hbm.at[pl.ds(base, PER_W)], idx_all,
                              isem).wait()
        for s in range(NBUF - 1):
            start_gather(s, s)

        def body(h, carry):
            for j in range(NBUF):
                g = h * NBUF + j
                wait_gather(g, j)
                start_scatter(g, j)
                nslot = (j + NBUF - 1) % NBUF
                nxt = g + NBUF - 1

                @pl.when(nxt < NCH)
                def _():
                    @pl.when(g >= 1)
                    def _():
                        wait_scatter(g - 1, nslot)
                    start_gather(nxt, nslot)

            return carry

        lax.fori_loop(0, NCH // NBUF, body, 0)
        for s in range(NBUF):
            wait_scatter(NCH - NBUF + s, s)

    return gather


_sc_gather = _make_sc_gather()


def kernel(idx, same_chain, W_emb, W_chain, W_proj):
    idx_row = idx.reshape(B, 1, L)
    idx_col = idx.reshape(B, L, 1)
    seqsep, table = pl.pallas_call(
        _prologue_body,
        grid=(B,),
        in_specs=[
            pl.BlockSpec((1, 1, L), lambda b: (b, 0, 0)),
            pl.BlockSpec((1, L, 1), lambda b: (b, 0, 0)),
            pl.BlockSpec((1, L, L), lambda b: (b, 0, 0)),
            pl.BlockSpec((NBIN + 1, D), lambda b: (0, 0)),
            pl.BlockSpec((2, D), lambda b: (0, 0)),
            pl.BlockSpec((2 * D, D), lambda b: (0, 0)),
        ],
        out_specs=[
            pl.BlockSpec((1, L, L), lambda b: (b, 0, 0)),
            pl.BlockSpec((NBIN + 1, D), lambda b: (0, 0)),
        ],
        out_shape=[
            jax.ShapeDtypeStruct((B, L, L), jnp.int32),
            jax.ShapeDtypeStruct((NBIN + 1, D), jnp.float32),
        ],
    )(idx_row, idx_col, same_chain, W_emb, W_chain, W_proj)

    out = _sc_gather(table, seqsep.reshape(P))
    return out.reshape(B, L, L, D)

# --- scband reference (transcript-rebuilt; emitter-appended) ---
"""Pipeline reference for scband-positional-encoding2-d-5755256176813 (READ-ONLY COPY).

The authoritative reference and input builder live on the scoring server;
editing this copy changes nothing except your own understanding.
"""

import jax, jax.numpy as jnp
import numpy as np

B, L, D = 2, 512, 128
MAXPOS = 31
NBIN = 31 + 31 + 1  # abs(minpos) + maxpos + 1 = 63


def setup_inputs(seed: int = 0) -> dict:
    key = jax.random.key(seed)
    k1, k2, k3, k4 = jax.random.split(key, 4)
    idx = jnp.arange(B * L, dtype=jnp.int32).reshape(B, L)
    same_chain = jax.random.randint(k1, (B, L, L), 0, 2, dtype=jnp.int32)
    W_emb = jax.random.normal(k2, (NBIN + 1, D), dtype=jnp.float32) * 0.02
    W_chain = jax.random.normal(k3, (2, D), dtype=jnp.float32) * 0.02
    W_proj = jax.random.normal(k4, (2 * D, D), dtype=jnp.float32) * 0.02
    return {"idx": idx, "same_chain": same_chain, "W_emb": W_emb, "W_chain": W_chain, "W_proj": W_proj}


def reference(idx, same_chain, W_emb, W_chain, W_proj):
    b, l = idx.shape[:2]
    inter_idx = jnp.full((b, l, l), NBIN, dtype=jnp.int32)
    seqsep = idx[:, None, :] - idx[:, :, None] + MAXPOS
    seqsep = jnp.clip(seqsep, 0, NBIN - 1)
    seqsep = seqsep * same_chain + inter_idx * (1 - same_chain)
    emb_residx = jnp.take(W_emb, seqsep, axis=0)
    emb_chain = jnp.take(W_chain, same_chain.astype(jnp.int32), axis=0)
    emb = jnp.concatenate((emb_residx, emb_chain), axis=-1) @ W_proj
    return emb

if __name__ == "__main__":
    import jax
    _d = setup_inputs()
    print(jax.jit(kernel)(*tuple(_d.values())))

</pallas_src>

<mosaic_0001>
#map = affine_map<(d0, d1) -> (0, 0)>
#map1 = affine_map<(d0, d1) -> (0)>
module attributes {stable_mosaic.version = 14 : i64} {
  func.func @gather(%arg0: i32, %arg1: i32, %arg2: memref<64x128xf32, #tpu.memory_space<hbm>>, %arg3: memref<524288xi32, #tpu.memory_space<hbm>>, %arg4: memref<524288x128xf32, #tpu.memory_space<hbm>>, %arg5: memref<64x128xf32, #tpu.memory_space<vmem>>, %arg6: memref<64x128xf32, #tpu.memory_space<vmem_shared>>, %arg7: memref<16384xi32, #tpu.memory_space<vmem>>, %arg8: memref<128x128xf32, #tpu.memory_space<vmem>>, %arg9: memref<128x128xf32, #tpu.memory_space<vmem>>, %arg10: memref<128x128xf32, #tpu.memory_space<vmem>>, %arg11: memref<128x128xf32, #tpu.memory_space<vmem>>, %arg12: memref<!tpu.dma_semaphore, #tpu.memory_space<semaphore_mem>>, %arg13: memref<!tpu.dma_semaphore, #tpu.memory_space<semaphore_mem>>, %arg14: memref<!tpu.dma_semaphore, #tpu.memory_space<semaphore_mem>>, %arg15: memref<!tpu.dma_semaphore, #tpu.memory_space<semaphore_mem>>, %arg16: memref<!tpu.dma_semaphore, #tpu.memory_space<semaphore_mem>>, %arg17: memref<!tpu.dma_semaphore, #tpu.memory_space<semaphore_mem>>, %arg18: memref<!tpu.dma_semaphore, #tpu.memory_space<semaphore_mem>>, %arg19: memref<!tpu.dma_semaphore, #tpu.memory_space<semaphore_mem>>, %arg20: memref<!tpu.dma_semaphore, #tpu.memory_space<semaphore_mem>>) attributes {dimension_semantics = [#tpu.dimension_semantics<core_parallel>, #tpu.dimension_semantics<subcore_parallel>], iteration_bounds = array<i64: 2, 16>, scalar_prefetch = 0 : i64, scratch_operands = 16 : i64, tpu.core_type = #tpu.core_type<sc_vector_subcore>, window_params = [{transform_indices = #map}, {transform_indices = #map1}, {transform_indices = #map}]} {
    %mul3A = arith.constant 2 : i32
    %mul3A_0 = arith.muli %arg1, %mul3A : i32
    %add3A = arith.addi %mul3A_0, %arg0 : i32
    %mul3A_1 = arith.constant 16384 : i32
    %mul3A_2 = arith.muli %add3A, %mul3A_1 : i32
    %dma_start3A = tpu.memref_slice %arg3[%mul3A_2] : memref<524288xi32, #tpu.memory_space<hbm>> -> memref<16384xi32, #tpu.memory_space<hbm>>
    %dma_start3A_3 = tpu.memref_slice %arg3[%mul3A_2] : memref<524288xi32, #tpu.memory_space<hbm>> -> memref<16384xi32, #tpu.memory_space<hbm>>
    tpu.enqueue_dma source(%dma_start3A_3 : memref<16384xi32, #tpu.memory_space<hbm>>) target(%arg7 : memref<16384xi32, #tpu.memory_space<vmem>>) target_semaphore(%arg20 : memref<!tpu.dma_semaphore, #tpu.memory_space<semaphore_mem>>)
    %eq3A = arith.constant 0 : i32
    %eq3A_4 = arith.cmpi eq, %arg1, %eq3A : i32
    %convert_element_type3A = arith.extui %eq3A_4 : i1 to i32
    %cond3A = arith.constant 0 : i32
    %cond3A_5 = arith.cmpi ne, %convert_element_type3A, %cond3A : i32
    scf.if %cond3A_5 {
      "tpu.region"() ({
        %run_scoped3A = tpu.sem_alloc : memref<!tpu.dma_semaphore, #tpu.memory_space<semaphore_mem>>
        tpu.enqueue_dma source(%arg2 : memref<64x128xf32, #tpu.memory_space<hbm>>) target(%arg5 : memref<64x128xf32, #tpu.memory_space<vmem>>) target_semaphore(%run_scoped3A : memref<!tpu.dma_semaphore, #tpu.memory_space<semaphore_mem>>)
        tpu.wait_dma2 semaphore(%run_scoped3A : memref<!tpu.dma_semaphore, #tpu.memory_space<semaphore_mem>>) src(%arg2 : memref<64x128xf32, #tpu.memory_space<hbm>>) dst(%arg5 : memref<64x128xf32, #tpu.memory_space<vmem>>)
        tpu.yield
      }) : () -> ()
      "tpu.region"() ({
        %run_scoped3A = tpu.sem_alloc : memref<!tpu.dma_semaphore, #tpu.memory_space<semaphore_mem>>
        tpu.enqueue_dma source(%arg5 : memref<64x128xf32, #tpu.memory_space<vmem>>) target(%arg6 : memref<64x128xf32, #tpu.memory_space<vmem_shared>>) target_semaphore(%run_scoped3A : memref<!tpu.dma_semaphore, #tpu.memory_space<semaphore_mem>>)
        tpu.wait_dma2 semaphore(%run_scoped3A : memref<!tpu.dma_semaphore, #tpu.memory_space<semaphore_mem>>) src(%arg5 : memref<64x128xf32, #tpu.memory_space<vmem>>) dst(%arg6 : memref<64x128xf32, #tpu.memory_space<vmem_shared>>)
        tpu.yield
      }) : () -> ()
    } else {
    }
    %barrier3A = arith.constant 0 : index
    tpu.barrier barrier_id(%barrier3A)
    %dma_wait3A = tpu.memref_slice %arg3[%mul3A_2] : memref<524288xi32, #tpu.memory_space<hbm>> -> memref<16384xi32, #tpu.memory_space<hbm>>
    %dma_wait3A_6 = tpu.memref_slice %arg3[%mul3A_2] : memref<524288xi32, #tpu.memory_space<hbm>> -> memref<16384xi32, #tpu.memory_space<hbm>>
    tpu.wait_dma2 semaphore(%arg20 : memref<!tpu.dma_semaphore, #tpu.memory_space<semaphore_mem>>) src(%dma_wait3A_6 : memref<16384xi32, #tpu.memory_space<hbm>>) dst(%arg7 : memref<16384xi32, #tpu.memory_space<vmem>>)
    %dma_start3A_7 = arith.constant 0 : i32
    %dma_start3A_8 = tpu.memref_slice %arg7[%dma_start3A_7] : memref<16384xi32, #tpu.memory_space<vmem>> -> memref<128xi32, #tpu.memory_space<vmem>>
    %dma_start3A_9 = arith.constant 0 : i32
    %dma_start3A_10 = arith.constant 0 : i32
    %dma_start3A_11 = tpu.memref_slice %arg6[%dma_start3A_9, %dma_start3A_10] : memref<64x128xf32, #tpu.memory_space<vmem_shared>> -> memref<64x128xf32, #tpu.memory_space<vmem_shared>>
    tpu.enqueue_indirect_dma source(%dma_start3A_11 : memref<64x128xf32, #tpu.memory_space<vmem_shared>>) target(%arg8 : memref<128x128xf32, #tpu.memory_space<vmem>>) offsets(%dma_start3A_8 : memref<128xi32, #tpu.memory_space<vmem>>) semaphore(%arg12 : memref<!tpu.dma_semaphore, #tpu.memory_space<semaphore_mem>>)
    %dma_start3A_12 = arith.constant 128 : i32
    %dma_start3A_13 = tpu.memref_slice %arg7[%dma_start3A_12] : memref<16384xi32, #tpu.memory_space<vmem>> -> memref<128xi32, #tpu.memory_space<vmem>>
    %dma_start3A_14 = arith.constant 0 : i32
    %dma_start3A_15 = arith.constant 0 : i32
    %dma_start3A_16 = tpu.memref_slice %arg6[%dma_start3A_14, %dma_start3A_15] : memref<64x128xf32, #tpu.memory_space<vmem_shared>> -> memref<64x128xf32, #tpu.memory_space<vmem_shared>>
    tpu.enqueue_indirect_dma source(%dma_start3A_16 : memref<64x128xf32, #tpu.memory_space<vmem_shared>>) target(%arg9 : memref<128x128xf32, #tpu.memory_space<vmem>>) offsets(%dma_start3A_13 : memref<128xi32, #tpu.memory_space<vmem>>) semaphore(%arg13 : memref<!tpu.dma_semaphore, #tpu.memory_space<semaphore_mem>>)
    %dma_start3A_17 = arith.constant 256 : i32
    %dma_start3A_18 = tpu.memref_slice %arg7[%dma_start3A_17] : memref<16384xi32, #tpu.memory_space<vmem>> -> memref<128xi32, #tpu.memory_space<vmem>>
    %dma_start3A_19 = arith.constant 0 : i32
    %dma_start3A_20 = arith.constant 0 : i32
    %dma_start3A_21 = tpu.memref_slice %arg6[%dma_start3A_19, %dma_start3A_20] : memref<64x128xf32, #tpu.memory_space<vmem_shared>> -> memref<64x128xf32, #tpu.memory_space<vmem_shared>>
    tpu.enqueue_indirect_dma source(%dma_start3A_21 : memref<64x128xf32, #tpu.memory_space<vmem_shared>>) target(%arg10 : memref<128x128xf32, #tpu.memory_space<vmem>>) offsets(%dma_start3A_18 : memref<128xi32, #tpu.memory_space<vmem>>) semaphore(%arg14 : memref<!tpu.dma_semaphore, #tpu.memory_space<semaphore_mem>>)
    %scan3A = arith.constant 0 : i32
    %scan3A_22 = arith.constant 0 : i32
    %scan3A_23 = arith.constant 32 : i32
    %scan3A_24 = arith.addi %scan3A_22, %scan3A_23 : i32
    %scan3A_25 = arith.constant 1 : i32
    scf.for %scan3A_51 = %scan3A_22 to %scan3A_24 step %scan3A_25  : i32 {
      %mul3A_52 = arith.constant 4 : i32
      %mul3A_53 = arith.muli %scan3A_51, %mul3A_52 : i32
      %add3A_54 = arith.constant 0 : i32
      %add3A_55 = arith.addi %mul3A_53, %add3A_54 : i32
      %mul3A_56 = arith.constant 128 : i32
      %mul3A_57 = arith.muli %add3A_55, %mul3A_56 : i32
      %dma_wait3A_58 = tpu.memref_slice %arg7[%mul3A_57] : memref<16384xi32, #tpu.memory_space<vmem>> -> memref<128xi32, #tpu.memory_space<vmem>>
      %dma_wait3A_59 = arith.constant 0 : i32
      %dma_wait3A_60 = arith.constant 0 : i32
      %dma_wait3A_61 = tpu.memref_slice %arg6[%dma_wait3A_59, %dma_wait3A_60] : memref<64x128xf32, #tpu.memory_space<vmem_shared>> -> memref<64x128xf32, #tpu.memory_space<vmem_shared>>
      tpu.wait_indirect_dma semaphore(%arg12 : memref<!tpu.dma_semaphore, #tpu.memory_space<semaphore_mem>>) src(%dma_wait3A_61 : memref<64x128xf32, #tpu.memory_space<vmem_shared>>) dst(%arg8 : memref<128x128xf32, #tpu.memory_space<vmem>>)
      %mul3A_62 = arith.constant 128 : i32
      %mul3A_63 = arith.muli %add3A_55, %mul3A_62 : i32
      %add3A_64 = arith.addi %mul3A_2, %mul3A_63 : i32
      %dma_start3A_65 = arith.constant 0 : i32
      %dma_start3A_66 = tpu.memref_slice %arg4[%add3A_64, %dma_start3A_65] : memref<524288x128xf32, #tpu.memory_space<hbm>> -> memref<128x128xf32, #tpu.memory_space<hbm>>
      %dma_start3A_67 = arith.constant 0 : i32
      %dma_start3A_68 = tpu.memref_slice %arg4[%add3A_64, %dma_start3A_67] : memref<524288x128xf32, #tpu.memory_space<hbm>> -> memref<128x128xf32, #tpu.memory_space<hbm>>
      tpu.enqueue_dma source(%arg8 : memref<128x128xf32, #tpu.memory_space<vmem>>) target(%dma_start3A_68 : memref<128x128xf32, #tpu.memory_space<hbm>>) target_semaphore(%arg16 : memref<!tpu.dma_semaphore, #tpu.memory_space<semaphore_mem>>)
      %add3A_69 = arith.constant 4 : i32
      %add3A_70 = arith.addi %add3A_55, %add3A_69 : i32
      %sub3A = arith.constant 1 : i32
      %sub3A_71 = arith.subi %add3A_70, %sub3A : i32
      %lt3A = arith.constant 128 : i32
      %lt3A_72 = arith.cmpi slt, %sub3A_71, %lt3A : i32
      %convert_element_type3A_73 = arith.extui %lt3A_72 : i1 to i32
      %cond3A_74 = arith.constant 0 : i32
      %cond3A_75 = arith.cmpi ne, %convert_element_type3A_73, %cond3A_74 : i32
      scf.if %cond3A_75 {
        %ge3A = arith.constant 1 : i32
        %ge3A_154 = arith.cmpi sge, %add3A_55, %ge3A : i32
        %convert_element_type3A_155 = arith.extui %ge3A_154 : i1 to i32
        %cond3A_156 = arith.constant 0 : i32
        %cond3A_157 = arith.cmpi ne, %convert_element_type3A_155, %cond3A_156 : i32
        scf.if %cond3A_157 {
          %sub3A_164 = arith.constant 1 : i32
          %sub3A_165 = arith.subi %add3A_55, %sub3A_164 : i32
          %mul3A_166 = arith.constant 128 : i32
          %mul3A_167 = arith.muli %sub3A_165, %mul3A_166 : i32
          %add3A_168 = arith.addi %mul3A_2, %mul3A_167 : i32
          %dma_wait3A_169 = arith.constant 0 : i32
          %dma_wait3A_170 = tpu.memref_slice %arg4[%add3A_168, %dma_wait3A_169] : memref<524288x128xf32, #tpu.memory_space<hbm>> -> memref<128x128xf32, #tpu.memory_space<hbm>>
          %dma_wait3A_171 = arith.constant 0 : i32
          %dma_wait3A_172 = tpu.memref_slice %arg4[%add3A_168, %dma_wait3A_171] : memref<524288x128xf32, #tpu.memory_space<hbm>> -> memref<128x128xf32, #tpu.memory_space<hbm>>
          tpu.wait_dma2 semaphore(%arg19 : memref<!tpu.dma_semaphore, #tpu.memory_space<semaphore_mem>>) src(%arg11 : memref<128x128xf32, #tpu.memory_space<vmem>>) dst(%dma_wait3A_172 : memref<128x128xf32, #tpu.memory_space<hbm>>)
        } else {
        }
        %mul3A_158 = arith.constant 128 : i32
        %mul3A_159 = arith.muli %sub3A_71, %mul3A_158 : i32
        %dma_start3A_160 = tpu.memref_slice %arg7[%mul3A_159] : memref<16384xi32, #tpu.memory_space<vmem>> -> memref<128xi32, #tpu.memory_space<vmem>>
        %dma_start3A_161 = arith.constant 0 : i32
        %dma_start3A_162 = arith.constant 0 : i32
        %dma_start3A_163 = tpu.memref_slice %arg6[%dma_start3A_161, %dma_start3A_162] : memref<64x128xf32, #tpu.memory_space<vmem_shared>> -> memref<64x128xf32, #tpu.memory_space<vmem_shared>>
        tpu.enqueue_indirect_dma source(%dma_start3A_163 : memref<64x128xf32, #tpu.memory_space<vmem_shared>>) target(%arg11 : memref<128x128xf32, #tpu.memory_space<vmem>>) offsets(%dma_start3A_160 : memref<128xi32, #tpu.memory_space<vmem>>) semaphore(%arg15 : memref<!tpu.dma_semaphore, #tpu.memory_space<semaphore_mem>>)
      } else {
      }
      %mul3A_76 = arith.constant 4 : i32
      %mul3A_77 = arith.muli %scan3A_51, %mul3A_76 : i32
      %add3A_78 = arith.constant 1 : i32
      %add3A_79 = arith.addi %mul3A_77, %add3A_78 : i32
      %mul3A_80 = arith.constant 128 : i32
      %mul3A_81 = arith.muli %add3A_79, %mul3A_80 : i32
      %dma_wait3A_82 = tpu.memref_slice %arg7[%mul3A_81] : memref<16384xi32, #tpu.memory_space<vmem>> -> memref<128xi32, #tpu.memory_space<vmem>>
      %dma_wait3A_83 = arith.constant 0 : i32
      %dma_wait3A_84 = arith.constant 0 : i32
      %dma_wait3A_85 = tpu.memref_slice %arg6[%dma_wait3A_83, %dma_wait3A_84] : memref<64x128xf32, #tpu.memory_space<vmem_shared>> -> memref<64x128xf32, #tpu.memory_space<vmem_shared>>
      tpu.wait_indirect_dma semaphore(%arg13 : memref<!tpu.dma_semaphore, #tpu.memory_space<semaphore_mem>>) src(%dma_wait3A_85 : memref<64x128xf32, #tpu.memory_space<vmem_shared>>) dst(%arg9 : memref<128x128xf32, #tpu.memory_space<vmem>>)
      %mul3A_86 = arith.constant 128 : i32
      %mul3A_87 = arith.muli %add3A_79, %mul3A_86 : i32
      %add3A_88 = arith.addi %mul3A_2, %mul3A_87 : i32
      %dma_start3A_89 = arith.constant 0 : i32
      %dma_start3A_90 = tpu.memref_slice %arg4[%add3A_88, %dma_start3A_89] : memref<524288x128xf32, #tpu.memory_space<hbm>> -> memref<128x128xf32, #tpu.memory_space<hbm>>
      %dma_start3A_91 = arith.constant 0 : i32
      %dma_start3A_92 = tpu.memref_slice %arg4[%add3A_88, %dma_start3A_91] : memref<524288x128xf32, #tpu.memory_space<hbm>> -> memref<128x128xf32, #tpu.memory_space<hbm>>
      tpu.enqueue_dma source(%arg9 : memref<128x128xf32, #tpu.memory_space<vmem>>) target(%dma_start3A_92 : memref<128x128xf32, #tpu.memory_space<hbm>>) target_semaphore(%arg17 : memref<!tpu.dma_semaphore, #tpu.memory_space<semaphore_mem>>)
      %add3A_93 = arith.constant 4 : i32
      %add3A_94 = arith.addi %add3A_79, %add3A_93 : i32
      %sub3A_95 = arith.constant 1 : i32
      %sub3A_96 = arith.subi %add3A_94, %sub3A_95 : i32
      %lt3A_97 = arith.constant 128 : i32
      %lt3A_98 = arith.cmpi slt, %sub3A_96, %lt3A_97 : i32
      %convert_element_type3A_99 = arith.extui %lt3A_98 : i1 to i32
      %cond3A_100 = arith.constant 0 : i32
      %cond3A_101 = arith.cmpi ne, %convert_element_type3A_99, %cond3A_100 : i32
      scf.if %cond3A_101 {
        %ge3A = arith.constant 1 : i32
        %ge3A_154 = arith.cmpi sge, %add3A_79, %ge3A : i32
        %convert_element_type3A_155 = arith.extui %ge3A_154 : i1 to i32
        %cond3A_156 = arith.constant 0 : i32
        %cond3A_157 = arith.cmpi ne, %convert_element_type3A_155, %cond3A_156 : i32
        scf.if %cond3A_157 {
          %sub3A_164 = arith.constant 1 : i32
          %sub3A_165 = arith.subi %add3A_79, %sub3A_164 : i32
          %mul3A_166 = arith.constant 128 : i32
          %mul3A_167 = arith.muli %sub3A_165, %mul3A_166 : i32
          %add3A_168 = arith.addi %mul3A_2, %mul3A_167 : i32
          %dma_wait3A_169 = arith.constant 0 : i32
          %dma_wait3A_170 = tpu.memref_slice %arg4[%add3A_168, %dma_wait3A_169] : memref<524288x128xf32, #tpu.memory_space<hbm>> -> memref<128x128xf32, #tpu.memory_space<hbm>>
          %dma_wait3A_171 = arith.constant 0 : i32
          %dma_wait3A_172 = tpu.memref_slice %arg4[%add3A_168, %dma_wait3A_171] : memref<524288x128xf32, #tpu.memory_space<hbm>> -> memref<128x128xf32, #tpu.memory_space<hbm>>
          tpu.wait_dma2 semaphore(%arg16 : memref<!tpu.dma_semaphore, #tpu.memory_space<semaphore_mem>>) src(%arg8 : memref<128x128xf32, #tpu.memory_space<vmem>>) dst(%dma_wait3A_172 : memref<128x128xf32, #tpu.memory_space<hbm>>)
        } else {
        }
        %mul3A_158 = arith.constant 128 : i32
        %mul3A_159 = arith.muli %sub3A_96, %mul3A_158 : i32
        %dma_start3A_160 = tpu.memref_slice %arg7[%mul3A_159] : memref<16384xi32, #tpu.memory_space<vmem>> -> memref<128xi32, #tpu.memory_space<vmem>>
        %dma_start3A_161 = arith.constant 0 : i32
        %dma_start3A_162 = arith.constant 0 : i32
        %dma_start3A_163 = tpu.memref_slice %arg6[%dma_start3A_161, %dma_start3A_162] : memref<64x128xf32, #tpu.memory_space<vmem_shared>> -> memref<64x128xf32, #tpu.memory_space<vmem_shared>>
        tpu.enqueue_indirect_dma source(%dma_start3A_163 : memref<64x128xf32, #tpu.memory_space<vmem_shared>>) target(%arg8 : memref<128x128xf32, #tpu.memory_space<vmem>>) offsets(%dma_start3A_160 : memref<128xi32, #tpu.memory_space<vmem>>) semaphore(%arg12 : memref<!tpu.dma_semaphore, #tpu.memory_space<semaphore_mem>>)
      } else {
      }
      %mul3A_102 = arith.constant 4 : i32
      %mul3A_103 = arith.muli %scan3A_51, %mul3A_102 : i32
      %add3A_104 = arith.constant 2 : i32
      %add3A_105 = arith.addi %mul3A_103, %add3A_104 : i32
      %mul3A_106 = arith.constant 128 : i32
      %mul3A_107 = arith.muli %add3A_105, %mul3A_106 : i32
      %dma_wait3A_108 = tpu.memref_slice %arg7[%mul3A_107] : memref<16384xi32, #tpu.memory_space<vmem>> -> memref<128xi32, #tpu.memory_space<vmem>>
      %dma_wait3A_109 = arith.constant 0 : i32
      %dma_wait3A_110 = arith.constant 0 : i32
      %dma_wait3A_111 = tpu.memref_slice %arg6[%dma_wait3A_109, %dma_wait3A_110] : memref<64x128xf32, #tpu.memory_space<vmem_shared>> -> memref<64x128xf32, #tpu.memory_space<vmem_shared>>
      tpu.wait_indirect_dma semaphore(%arg14 : memref<!tpu.dma_semaphore, #tpu.memory_space<semaphore_mem>>) src(%dma_wait3A_111 : memref<64x128xf32, #tpu.memory_space<vmem_shared>>) dst(%arg10 : memref<128x128xf32, #tpu.memory_space<vmem>>)
      %mul3A_112 = arith.constant 128 : i32
      %mul3A_113 = arith.muli %add3A_105, %mul3A_112 : i32
      %add3A_114 = arith.addi %mul3A_2, %mul3A_113 : i32
      %dma_start3A_115 = arith.constant 0 : i32
      %dma_start3A_116 = tpu.memref_slice %arg4[%add3A_114, %dma_start3A_115] : memref<524288x128xf32, #tpu.memory_space<hbm>> -> memref<128x128xf32, #tpu.memory_space<hbm>>
      %dma_start3A_117 = arith.constant 0 : i32
      %dma_start3A_118 = tpu.memref_slice %arg4[%add3A_114, %dma_start3A_117] : memref<524288x128xf32, #tpu.memory_space<hbm>> -> memref<128x128xf32, #tpu.memory_space<hbm>>
      tpu.enqueue_dma source(%arg10 : memref<128x128xf32, #tpu.memory_space<vmem>>) target(%dma_start3A_118 : memref<128x128xf32, #tpu.memory_space<hbm>>) target_semaphore(%arg18 : memref<!tpu.dma_semaphore, #tpu.memory_space<semaphore_mem>>)
      %add3A_119 = arith.constant 4 : i32
      %add3A_120 = arith.addi %add3A_105, %add3A_119 : i32
      %sub3A_121 = arith.constant 1 : i32
      %sub3A_122 = arith.subi %add3A_120, %sub3A_121 : i32
      %lt3A_123 = arith.constant 128 : i32
      %lt3A_124 = arith.cmpi slt, %sub3A_122, %lt3A_123 : i32
      %convert_element_type3A_125 = arith.extui %lt3A_124 : i1 to i32
      %cond3A_126 = arith.constant 0 : i32
      %cond3A_127 = arith.cmpi ne, %convert_element_type3A_125, %cond3A_126 : i32
      scf.if %cond3A_127 {
        %ge3A = arith.constant 1 : i32
        %ge3A_154 = arith.cmpi sge, %add3A_105, %ge3A : i32
        %convert_element_type3A_155 = arith.extui %ge3A_154 : i1 to i32
        %cond3A_156 = arith.constant 0 : i32
        %cond3A_157 = arith.cmpi ne, %convert_element_type3A_155, %cond3A_156 : i32
        scf.if %cond3A_157 {
          %sub3A_164 = arith.constant 1 : i32
          %sub3A_165 = arith.subi %add3A_105, %sub3A_164 : i32
          %mul3A_166 = arith.constant 128 : i32
          %mul3A_167 = arith.muli %sub3A_165, %mul3A_166 : i32
          %add3A_168 = arith.addi %mul3A_2, %mul3A_167 : i32
          %dma_wait3A_169 = arith.constant 0 : i32
          %dma_wait3A_170 = tpu.memref_slice %arg4[%add3A_168, %dma_wait3A_169] : memref<524288x128xf32, #tpu.memory_space<hbm>> -> memref<128x128xf32, #tpu.memory_space<hbm>>
          %dma_wait3A_171 = arith.constant 0 : i32
          %dma_wait3A_172 = tpu.memref_slice %arg4[%add3A_168, %dma_wait3A_171] : memref<524288x128xf32, #tpu.memory_space<hbm>> -> memref<128x128xf32, #tpu.memory_space<hbm>>
          tpu.wait_dma2 semaphore(%arg17 : memref<!tpu.dma_semaphore, #tpu.memory_space<semaphore_mem>>) src(%arg9 : memref<128x128xf32, #tpu.memory_space<vmem>>) dst(%dma_wait3A_172 : memref<128x128xf32, #tpu.memory_space<hbm>>)
        } else {
        }
        %mul3A_158 = arith.constant 128 : i32
        %mul3A_159 = arith.muli %sub3A_122, %mul3A_158 : i32
        %dma_start3A_160 = tpu.memref_slice %arg7[%mul3A_159] : memref<16384xi32, #tpu.memory_space<vmem>> -> memref<128xi32, #tpu.memory_space<vmem>>
        %dma_start3A_161 = arith.constant 0 : i32
        %dma_start3A_162 = arith.constant 0 : i32
        %dma_start3A_163 = tpu.memref_slice %arg6[%dma_start3A_161, %dma_start3A_162] : memref<64x128xf32, #tpu.memory_space<vmem_shared>> -> memref<64x128xf32, #tpu.memory_space<vmem_shared>>
        tpu.enqueue_indirect_dma source(%dma_start3A_163 : memref<64x128xf32, #tpu.memory_space<vmem_shared>>) target(%arg9 : memref<128x128xf32, #tpu.memory_space<vmem>>) offsets(%dma_start3A_160 : memref<128xi32, #tpu.memory_space<vmem>>) semaphore(%arg13 : memref<!tpu.dma_semaphore, #tpu.memory_space<semaphore_mem>>)
      } else {
      }
      %mul3A_128 = arith.constant 4 : i32
      %mul3A_129 = arith.muli %scan3A_51, %mul3A_128 : i32
      %add3A_130 = arith.constant 3 : i32
      %add3A_131 = arith.addi %mul3A_129, %add3A_130 : i32
      %mul3A_132 = arith.constant 128 : i32
      %mul3A_133 = arith.muli %add3A_131, %mul3A_132 : i32
      %dma_wait3A_134 = tpu.memref_slice %arg7[%mul3A_133] : memref<16384xi32, #tpu.memory_space<vmem>> -> memref<128xi32, #tpu.memory_space<vmem>>
      %dma_wait3A_135 = arith.constant 0 : i32
      %dma_wait3A_136 = arith.constant 0 : i32
      %dma_wait3A_137 = tpu.memref_slice %arg6[%dma_wait3A_135, %dma_wait3A_136] : memref<64x128xf32, #tpu.memory_space<vmem_shared>> -> memref<64x128xf32, #tpu.memory_space<vmem_shared>>
      tpu.wait_indirect_dma semaphore(%arg15 : memref<!tpu.dma_semaphore, #tpu.memory_space<semaphore_mem>>) src(%dma_wait3A_137 : memref<64x128xf32, #tpu.memory_space<vmem_shared>>) dst(%arg11 : memref<128x128xf32, #tpu.memory_space<vmem>>)
      %mul3A_138 = arith.constant 128 : i32
      %mul3A_139 = arith.muli %add3A_131, %mul3A_138 : i32
      %add3A_140 = arith.addi %mul3A_2, %mul3A_139 : i32
      %dma_start3A_141 = arith.constant 0 : i32
      %dma_start3A_142 = tpu.memref_slice %arg4[%add3A_140, %dma_start3A_141] : memref<524288x128xf32, #tpu.memory_space<hbm>> -> memref<128x128xf32, #tpu.memory_space<hbm>>
      %dma_start3A_143 = arith.constant 0 : i32
      %dma_start3A_144 = tpu.memref_slice %arg4[%add3A_140, %dma_start3A_143] : memref<524288x128xf32, #tpu.memory_space<hbm>> -> memref<128x128xf32, #tpu.memory_space<hbm>>
      tpu.enqueue_dma source(%arg11 : memref<128x128xf32, #tpu.memory_space<vmem>>) target(%dma_start3A_144 : memref<128x128xf32, #tpu.memory_space<hbm>>) target_semaphore(%arg19 : memref<!tpu.dma_semaphore, #tpu.memory_space<semaphore_mem>>)
      %add3A_145 = arith.constant 4 : i32
      %add3A_146 = arith.addi %add3A_131, %add3A_145 : i32
      %sub3A_147 = arith.constant 1 : i32
      %sub3A_148 = arith.subi %add3A_146, %sub3A_147 : i32
      %lt3A_149 = arith.constant 128 : i32
      %lt3A_150 = arith.cmpi slt, %sub3A_148, %lt3A_149 : i32
      %convert_element_type3A_151 = arith.extui %lt3A_150 : i1 to i32
      %cond3A_152 = arith.constant 0 : i32
      %cond3A_153 = arith.cmpi ne, %convert_element_type3A_151, %cond3A_152 : i32
      scf.if %cond3A_153 {
        %ge3A = arith.constant 1 : i32
        %ge3A_154 = arith.cmpi sge, %add3A_131, %ge3A : i32
        %convert_element_type3A_155 = arith.extui %ge3A_154 : i1 to i32
        %cond3A_156 = arith.constant 0 : i32
        %cond3A_157 = arith.cmpi ne, %convert_element_type3A_155, %cond3A_156 : i32
        scf.if %cond3A_157 {
          %sub3A_164 = arith.constant 1 : i32
          %sub3A_165 = arith.subi %add3A_131, %sub3A_164 : i32
          %mul3A_166 = arith.constant 128 : i32
          %mul3A_167 = arith.muli %sub3A_165, %mul3A_166 : i32
          %add3A_168 = arith.addi %mul3A_2, %mul3A_167 : i32
          %dma_wait3A_169 = arith.constant 0 : i32
          %dma_wait3A_170 = tpu.memref_slice %arg4[%add3A_168, %dma_wait3A_169] : memref<524288x128xf32, #tpu.memory_space<hbm>> -> memref<128x128xf32, #tpu.memory_space<hbm>>
          %dma_wait3A_171 = arith.constant 0 : i32
          %dma_wait3A_172 = tpu.memref_slice %arg4[%add3A_168, %dma_wait3A_171] : memref<524288x128xf32, #tpu.memory_space<hbm>> -> memref<128x128xf32, #tpu.memory_space<hbm>>
          tpu.wait_dma2 semaphore(%arg18 : memref<!tpu.dma_semaphore, #tpu.memory_space<semaphore_mem>>) src(%arg10 : memref<128x128xf32, #tpu.memory_space<vmem>>) dst(%dma_wait3A_172 : memref<128x128xf32, #tpu.memory_space<hbm>>)
        } else {
        }
        %mul3A_158 = arith.constant 128 : i32
        %mul3A_159 = arith.muli %sub3A_148, %mul3A_158 : i32
        %dma_start3A_160 = tpu.memref_slice %arg7[%mul3A_159] : memref<16384xi32, #tpu.memory_space<vmem>> -> memref<128xi32, #tpu.memory_space<vmem>>
        %dma_start3A_161 = arith.constant 0 : i32
        %dma_start3A_162 = arith.constant 0 : i32
        %dma_start3A_163 = tpu.memref_slice %arg6[%dma_start3A_161, %dma_start3A_162] : memref<64x128xf32, #tpu.memory_space<vmem_shared>> -> memref<64x128xf32, #tpu.memory_space<vmem_shared>>
        tpu.enqueue_indirect_dma source(%dma_start3A_163 : memref<64x128xf32, #tpu.memory_space<vmem_shared>>) target(%arg10 : memref<128x128xf32, #tpu.memory_space<vmem>>) offsets(%dma_start3A_160 : memref<128xi32, #tpu.memory_space<vmem>>) semaphore(%arg14 : memref<!tpu.dma_semaphore, #tpu.memory_space<semaphore_mem>>)
      } else {
      }
    }
    %scan3A_26 = arith.constant 32 : i32
    %add3A_27 = arith.constant 15872 : i32
    %add3A_28 = arith.addi %mul3A_2, %add3A_27 : i32
    %dma_wait3A_29 = arith.constant 0 : i32
    %dma_wait3A_30 = tpu.memref_slice %arg4[%add3A_28, %dma_wait3A_29] : memref<524288x128xf32, #tpu.memory_space<hbm>> -> memref<128x128xf32, #tpu.memory_space<hbm>>
    %dma_wait3A_31 = arith.constant 0 : i32
    %dma_wait3A_32 = tpu.memref_slice %arg4[%add3A_28, %dma_wait3A_31] : memref<524288x128xf32, #tpu.memory_space<hbm>> -> memref<128x128xf32, #tpu.memory_space<hbm>>
    tpu.wait_dma2 semaphore(%arg16 : memref<!tpu.dma_semaphore, #tpu.memory_space<semaphore_mem>>) src(%arg8 : memref<128x128xf32, #tpu.memory_space<vmem>>) dst(%dma_wait3A_32 : memref<128x128xf32, #tpu.memory_space<hbm>>)
    %add3A_33 = arith.constant 16000 : i32
    %add3A_34 = arith.addi %mul3A_2, %add3A_33 : i32
    %dma_wait3A_35 = arith.constant 0 : i32
    %dma_wait3A_36 = tpu.memref_slice %arg4[%add3A_34, %dma_wait3A_35] : memref<524288x128xf32, #tpu.memory_space<hbm>> -> memref<128x128xf32, #tpu.memory_space<hbm>>
    %dma_wait3A_37 = arith.constant 0 : i32
    %dma_wait3A_38 = tpu.memref_slice %arg4[%add3A_34, %dma_wait3A_37] : memref<524288x128xf32, #tpu.memory_space<hbm>> -> memref<128x128xf32, #tpu.memory_space<hbm>>
    tpu.wait_dma2 semaphore(%arg17 : memref<!tpu.dma_semaphore, #tpu.memory_space<semaphore_mem>>) src(%arg9 : memref<128x128xf32, #tpu.memory_space<vmem>>) dst(%dma_wait3A_38 : memref<128x128xf32, #tpu.memory_space<hbm>>)
    %add3A_39 = arith.constant 16128 : i32
    %add3A_40 = arith.addi %mul3A_2, %add3A_39 : i32
    %dma_wait3A_41 = arith.constant 0 : i32
    %dma_wait3A_42 = tpu.memref_slice %arg4[%add3A_40, %dma_wait3A_41] : memref<524288x128xf32, #tpu.memory_space<hbm>> -> memref<128x128xf32, #tpu.memory_space<hbm>>
    %dma_wait3A_43 = arith.constant 0 : i32
    %dma_wait3A_44 = tpu.memref_slice %arg4[%add3A_40, %dma_wait3A_43] : memref<524288x128xf32, #tpu.memory_space<hbm>> -> memref<128x128xf32, #tpu.memory_space<hbm>>
    tpu.wait_dma2 semaphore(%arg18 : memref<!tpu.dma_semaphore, #tpu.memory_space<semaphore_mem>>) src(%arg10 : memref<128x128xf32, #tpu.memory_space<vmem>>) dst(%dma_wait3A_44 : memref<128x128xf32, #tpu.memory_space<hbm>>)
    %add3A_45 = arith.constant 16256 : i32
    %add3A_46 = arith.addi %mul3A_2, %add3A_45 : i32
    %dma_wait3A_47 = arith.constant 0 : i32
    %dma_wait3A_48 = tpu.memref_slice %arg4[%add3A_46, %dma_wait3A_47] : memref<524288x128xf32, #tpu.memory_space<hbm>> -> memref<128x128xf32, #tpu.memory_space<hbm>>
    %dma_wait3A_49 = arith.constant 0 : i32
    %dma_wait3A_50 = tpu.memref_slice %arg4[%add3A_46, %dma_wait3A_49] : memref<524288x128xf32, #tpu.memory_space<hbm>> -> memref<128x128xf32, #tpu.memory_space<hbm>>
    tpu.wait_dma2 semaphore(%arg19 : memref<!tpu.dma_semaphore, #tpu.memory_space<semaphore_mem>>) src(%arg11 : memref<128x128xf32, #tpu.memory_space<vmem>>) dst(%dma_wait3A_50 : memref<128x128xf32, #tpu.memory_space<hbm>>)
    return
  }
}

module attributes {stable_mosaic.version = 14 : i64} {
  func.func @_prologue_body(%arg0: i32, %arg1: memref<1x1x512xi32, #tpu.memory_space<vmem>>, %arg2: memref<1x512x1xi32, #tpu.memory_space<vmem>>, %arg3: memref<1x512x512xi32, #tpu.memory_space<vmem>>, %arg4: memref<64x128xf32, #tpu.memory_space<vmem>>, %arg5: memref<2x128xf32, #tpu.memory_space<vmem>>, %arg6: memref<256x128xf32, #tpu.memory_space<vmem>>, %arg7: memref<1x512x512xi32, #tpu.memory_space<vmem>>, %arg8: memref<64x128xf32, #tpu.memory_space<vmem>>) attributes {dimension_semantics = [#tpu.dimension_semantics<arbitrary>], iteration_bounds = array<i64: 2>, scalar_prefetch = 0 : i64, scratch_operands = 0 : i64, tpu.core_type = #tpu.core_type<tc>, window_params = [{transform_indices = @transform_0, window_bounds = array<i64: 1, 1, 512>}, {transform_indices = @transform_1, window_bounds = array<i64: 1, 512, 1>}, {transform_indices = @transform_2, window_bounds = array<i64: 1, 512, 512>}, {pipeline_mode = #tpu.pipeline_mode<synchronous>, transform_indices = @transform_3, window_bounds = array<i64: 64, 128>}, {pipeline_mode = #tpu.pipeline_mode<synchronous>, transform_indices = @transform_4, window_bounds = array<i64: 2, 128>}, {pipeline_mode = #tpu.pipeline_mode<synchronous>, transform_indices = @transform_5, window_bounds = array<i64: 256, 128>}, {transform_indices = @transform_6, window_bounds = array<i64: 1, 512, 512>}, {pipeline_mode = #tpu.pipeline_mode<synchronous>, transform_indices = @transform_7, window_bounds = array<i64: 64, 128>}]} {
    %get3A = arith.constant 0 : index
    %get3A_0 = arith.constant 0 : index
    %get3A_1 = arith.constant 0 : index
    %get3A_2 = vector.load %arg1[%get3A, %get3A_0, %get3A_1] : memref<1x1x512xi32, #tpu.memory_space<vmem>>, vector<1x1x512xi32>
    %get3A_3 = vector.shape_cast %get3A_2 : vector<1x1x512xi32> to vector<1x512xi32>
    %get3A_4 = arith.constant 0 : index
    %get3A_5 = arith.constant 0 : index
    %get3A_6 = arith.constant 0 : index
    %get3A_7 = vector.load %arg2[%get3A_4, %get3A_5, %get3A_6] : memref<1x512x1xi32, #tpu.memory_space<vmem>>, vector<1x512x1xi32>
    %get3A_8 = vector.shape_cast %get3A_7 : vector<1x512x1xi32> to vector<512x1xi32>
    %sub3A = vector.broadcast %get3A_3 : vector<1x512xi32> to vector<512x512xi32>
    %sub3A_9 = vector.broadcast %get3A_8 : vector<512x1xi32> to vector<512x512xi32>
    %sub3A_10 = arith.subi %sub3A, %sub3A_9 : vector<512x512xi32>
    %add3A = arith.constant 31 : i32
    %add3A_11 = vector.broadcast %add3A : i32 to vector<512x512xi32>
    %add3A_12 = arith.addi %sub3A_10, %add3A_11 : vector<512x512xi32>
    %jit3A = arith.constant 0 : i32
    %jit3A_13 = arith.constant 62 : i32
    %max3A = vector.broadcast %jit3A : i32 to vector<512x512xi32>
    %max3A_14 = arith.maxsi %max3A, %add3A_12 : vector<512x512xi32>
    %min3A = vector.broadcast %jit3A_13 : i32 to vector<512x512xi32>
    %min3A_15 = arith.minsi %min3A, %max3A_14 : vector<512x512xi32>
    %get3A_16 = arith.constant 0 : index
    %get3A_17 = arith.constant 0 : index
    %get3A_18 = arith.constant 0 : index
    %get3A_19 = vector.load %arg3[%get3A_16, %get3A_17, %get3A_18] : memref<1x512x512xi32, #tpu.memory_space<vmem>>, vector<1x512x512xi32>
    %get3A_20 = vector.shape_cast %get3A_19 : vector<1x512x512xi32> to vector<512x512xi32>
    %mul3A = arith.muli %min3A_15, %get3A_20 : vector<512x512xi32>
    %sub3A_21 = arith.constant 1 : i32
    %sub3A_22 = vector.broadcast %sub3A_21 : i32 to vector<512x512xi32>
    %sub3A_23 = arith.subi %sub3A_22, %get3A_20 : vector<512x512xi32>
    %mul3A_24 = arith.constant 63 : i32
    %mul3A_25 = vector.broadcast %mul3A_24 : i32 to vector<512x512xi32>
    %mul3A_26 = arith.muli %mul3A_25, %sub3A_23 : vector<512x512xi32>
    %add3A_27 = arith.addi %mul3A, %mul3A_26 : vector<512x512xi32>
    %swap3A = arith.constant 0 : index
    %swap3A_28 = arith.constant 0 : index
    %swap3A_29 = arith.constant 0 : index
    %swap3A_30 = vector.load %arg7[%swap3A, %swap3A_28, %swap3A_29] : memref<1x512x512xi32, #tpu.memory_space<vmem>>, vector<1x512x512xi32>
    %swap3A_31 = vector.shape_cast %swap3A_30 : vector<1x512x512xi32> to vector<512x512xi32>
    %swap3A_32 = vector.shape_cast %add3A_27 : vector<512x512xi32> to vector<1x512x512xi32>
    tpu.vector_store %arg7[%swap3A, %swap3A_28, %swap3A_29], %swap3A_32 {strides = array<i32>} : memref<1x512x512xi32, #tpu.memory_space<vmem>>, vector<1x512x512xi32>,
    %eq3A = arith.constant 0 : i32
    %eq3A_33 = arith.cmpi eq, %arg0, %eq3A : i32
    %convert_element_type3A = arith.extui %eq3A_33 : i1 to i32
    %cond3A = arith.constant 0 : i32
    %cond3A_34 = arith.cmpi ne, %convert_element_type3A, %cond3A : i32
    scf.if %cond3A_34 {
      %get3A_35 = arith.constant 0 : index
      %get3A_36 = arith.constant 0 : index
      %get3A_37 = vector.load %arg6[%get3A_35, %get3A_36] : memref<256x128xf32, #tpu.memory_space<vmem>>, vector<128x128xf32>
      %get3A_38 = arith.constant 128 : index
      %get3A_39 = arith.constant 0 : index
      %get3A_40 = vector.load %arg6[%get3A_38, %get3A_39] : memref<256x128xf32, #tpu.memory_space<vmem>>, vector<128x128xf32>
      %get3A_41 = arith.constant 0 : index
      %get3A_42 = arith.constant 0 : index
      %get3A_43 = vector.load %arg4[%get3A_41, %get3A_42] : memref<64x128xf32, #tpu.memory_space<vmem>>, vector<64x128xf32>
      %dot_general3A = arith.constant dense<0.000000e+00> : vector<64x128xf32>
      %dot_general3A_44 = tpu.matmul %get3A_43, %get3A_37, %dot_general3A {dimension_numbers = #tpu.dot_dimension_numbers<[1], [0], [0], [1], [0, 0, 1, 1], [], []>, transpose_lhs_hint = false} : vector<64x128xf32>, vector<128x128xf32>, vector<64x128xf32> -> vector<64x128xf32>
      %get3A_45 = arith.constant 0 : index
      %get3A_46 = arith.constant 0 : index
      %get3A_47 = vector.load %arg5[%get3A_45, %get3A_46] : memref<2x128xf32, #tpu.memory_space<vmem>>, vector<2x128xf32>
      %dot_general3A_48 = arith.constant dense<0.000000e+00> : vector<2x128xf32>
      %dot_general3A_49 = tpu.matmul %get3A_47, %get3A_40, %dot_general3A_48 {dimension_numbers = #tpu.dot_dimension_numbers<[1], [0], [0], [1], [0, 0, 1, 1], [], []>, transpose_lhs_hint = false} : vector<2x128xf32>, vector<128x128xf32>, vector<2x128xf32> -> vector<2x128xf32>
      %iota3A = tpu.iota {dimensions = array<i32: 0>} : vector<64x1xi32>
      %eq3A_50 = arith.constant 63 : i32
      %eq3A_51 = vector.broadcast %eq3A_50 : i32 to vector<64x1xi32>
      %eq3A_52 = arith.cmpi eq, %iota3A, %eq3A_51 : vector<64x1xi32>
      %slice3A = vector.extract_strided_slice %dot_general3A_49 {offsets = [0, 0], sizes = [1, 128], strides = [1, 1]} : vector<2x128xf32> to vector<1x128xf32>
      %slice3A_53 = vector.extract_strided_slice %dot_general3A_49 {offsets = [1, 0], sizes = [1, 128], strides = [1, 1]} : vector<2x128xf32> to vector<1x128xf32>
      %broadcast_in_dim3A = vector.shape_cast %eq3A_52 : vector<64x1xi1> to vector<64x1xi1>
      %broadcast_in_dim3A_54 = vector.broadcast %broadcast_in_dim3A : vector<64x1xi1> to vector<64x128xi1>
      %broadcast_in_dim3A_55 = vector.shape_cast %slice3A : vector<1x128xf32> to vector<1x128xf32>
      %broadcast_in_dim3A_56 = vector.broadcast %broadcast_in_dim3A_55 : vector<1x128xf32> to vector<64x128xf32>
      %broadcast_in_dim3A_57 = vector.shape_cast %slice3A_53 : vector<1x128xf32> to vector<1x128xf32>
      %broadcast_in_dim3A_58 = vector.broadcast %broadcast_in_dim3A_57 : vector<1x128xf32> to vector<64x128xf32>
      %select_n3A = arith.select %broadcast_in_dim3A_54, %broadcast_in_dim3A_56, %broadcast_in_dim3A_58 : vector<64x128xi1>, vector<64x128xf32>
      %add3A_59 = arith.addf %dot_general3A_44, %select_n3A : vector<64x128xf32>
      %swap3A_60 = arith.constant 0 : index
      %swap3A_61 = arith.constant 0 : index
      %swap3A_62 = vector.load %arg8[%swap3A_60, %swap3A_61] : memref<64x128xf32, #tpu.memory_space<vmem>>, vector<64x128xf32>
      tpu.vector_store %arg8[%swap3A_60, %swap3A_61], %add3A_59 {strides = array<i32>} : memref<64x128xf32, #tpu.memory_space<vmem>>, vector<64x128xf32>,
    } else {
    }
    return
  }
  func.func @transform_0(%arg0: i32) -> (i32, i32, i32) {
    %c0_i32 = arith.constant 0 : i32
    %c0_i32_0 = arith.constant 0 : i32
    %c0_i32_1 = arith.constant 0 : i32
    return %arg0, %c0_i32, %c0_i32_0 : i32, i32, i32
  }
  func.func @transform_1(%arg0: i32) -> (i32, i32, i32) {
    %c0_i32 = arith.constant 0 : i32
    %c0_i32_0 = arith.constant 0 : i32
    %c0_i32_1 = arith.constant 0 : i32
    return %arg0, %c0_i32, %c0_i32_0 : i32, i32, i32
  }
  func.func @transform_2(%arg0: i32) -> (i32, i32, i32) {
    %c0_i32 = arith.constant 0 : i32
    %c0_i32_0 = arith.constant 0 : i32
    %c0_i32_1 = arith.constant 0 : i32
    return %arg0, %c0_i32, %c0_i32_0 : i32, i32, i32
  }
  func.func @transform_3(%arg0: i32) -> (i32, i32) {
    %c0_i32 = arith.constant 0 : i32
    %c0_i32_0 = arith.constant 0 : i32
    %c0_i32_1 = arith.constant 0 : i32
    return %c0_i32, %c0_i32_0 : i32, i32
  }
  func.func @transform_4(%arg0: i32) -> (i32, i32) {
    %c0_i32 = arith.constant 0 : i32
    %c0_i32_0 = arith.constant 0 : i32
    %c0_i32_1 = arith.constant 0 : i32
    return %c0_i32, %c0_i32_0 : i32, i32
  }
  func.func @transform_5(%arg0: i32) -> (i32, i32) {
    %c0_i32 = arith.constant 0 : i32
    %c0_i32_0 = arith.constant 0 : i32
    %c0_i32_1 = arith.constant 0 : i32
    return %c0_i32, %c0_i32_0 : i32, i32
  }
  func.func @transform_6(%arg0: i32) -> (i32, i32, i32) {
    %c0_i32 = arith.constant 0 : i32
    %c0_i32_0 = arith.constant 0 : i32
    %c0_i32_1 = arith.constant 0 : i32
    return %arg0, %c0_i32, %c0_i32_0 : i32, i32, i32
  }
  func.func @transform_7(%arg0: i32) -> (i32, i32) {
    %c0_i32 = arith.constant 0 : i32
    %c0_i32_0 = arith.constant 0 : i32
    %c0_i32_1 = arith.constant 0 : i32
    return %c0_i32, %c0_i32_0 : i32, i32
  }
}

</mosaic_0001>

<sc_bundles>
// kernel: kernel.4.cloned.1.call-start
scs
__scs_entry_jumppad:
0x0: {  	(pc) =	sbr.rel $0x88, $3  }
0x1: {  	(tag) =	ssettag $0x0;
	lr =	simm.s32 $0x1  }
0x2: {  	[smem:$0x3F9C] =	sst lr;
	_ =	strace $0xD0000000  }
0x3: {  	_ = 	snop  }
0x4: {  	_ = 	snop  }
0x5: {  	_ = 	snop  }
0x6: {  	_ = 	snop  }
0x7: {  	_ = 	snop  }
__scs_overlays_trampoline_lowered:
0x8: {  	[smem:$0x3FAB] =	sst s0  }
0x9: {  	[smem:$0x3FAC] =	sst s1  }
0xa: {  	[smem:$0x3FAD] =	sst s2  }
0xb: {  	[smem:$0x3FAE] =	sst s3  }
0xc: {  	[smem:$0x3FAF] =	sst s4  }
0xd: {  	[smem:$0x3FB0] =	sst s5  }
0xe: {  	[smem:$0x3FB1] =	sst s6  }
0xf: {  	[smem:$0x3FB2] =	sst s7  }
0x10: {  	[smem:$0x3FB3] =	sst s8  }
0x11: {  	[smem:$0x3FB4] =	sst s9;
	s0 =	simm.s32 @!p0 $0x0  }
0x12: {  	s1 =	sld [smem:$0x3F9A];
	s0 =	simm.s32 @p0 $0x1  }
0x13: {  	[smem:$0x3FB5] =	sst s0;
	s0 =	simm.s32 @!p1 $0x0  }
0x14: {  	s2 =	sld [smem:$0x3F99];
	s0 =	simm.s32 @p1 $0x1  }
0x15: {  	[smem:$0x3FB6] =	sst s0;
	s0 =	simm.s32 @!p2 $0x0  }
0x16: {  	s3 =	sld [smem:$0x3FDB];
	s0 =	simm.s32 @p2 $0x1  }
0x17: {  	s4 =	simm.s32 $0x1BF5;
	[smem:$0x3FB8] =	sst s0  }
0x18: {  	s0 =	sld [smem:$0x3F9B];
	_ =	swait.ge [sflag:s4], $0x0  }
0x19: {  	s7 =	sld [smem:$0x3F9C]  }
0x1a: {  	s8 =	sadd.s32 $0xFFFFE003, lr  }
0x1b: {  	s9 =	sadd.s32 $0xFFFFFEF7, lr;
	s5 =	simm.s32 $0xFFFFFFFF;
	p2 =	slt.u32 s8, $0xFFFFF086  }
0x1c: {  	p1 =	slt.u32 s9, $0xF7A;
	s5 =	simm.s32 @!p2 $0x0  }
0x1d: {  	s5 =	simm.s32 @p1 $0x1;
	p0 =	seq.s32 s7, s2  }
0x1e: {  	s7 =	smul.u32 @!p0 $0xF7A, s2;
	p2 =	seq.s32 @!p0 s5, $0x0  }
0x1f: {  	s9 =	smul.u32 $0xF7A, s1;
	s8 =	simm.s32 @!p0 $0x1BF5;
	p2 =	por !p2, p0  }
0x20: {  	[sflag:s8] =	ssyncset.s32 @!p0 $0xFFFFF086;
	s6 =	sadd.s32 @!p0 s3, s7;
	s7 =	simm.s32 @!p0 $0x108  }
0x21: {  	s3 =	sadd.s32 s3, s9;
	s6 =	sadd.s32 @!p0 $0x88, s6;
	s7 =	simm.s32 @p2 $0x1082  }
0x22: {  	[simem:s7], [sflag:s8] =	dma.local @!p0 [hbm:s6], $0xF7A  }
0x23: {  	s9 =	sor.u32 $0xD0000000, s2;
	s6 =	simm.s32 $0x108;
	_ =	swait.ge @!p0 [sflag:s8], $0x0  }
0x24: {  	s3 =	sadd.s32 $0x88, s3;
	s6 =	simm.s32 @!p1 $0x1082;
	[sflag:s4] =	ssyncset.s32 $0xFFFFF086  }
0x25: {  	[simem:s6], [sflag:s4] =	dma.local [hbm:s3], $0xF7A  }
0x26: {  	[smem:$0x3F9C] =	sst s1;
	(tag) =	ssettag s2;
	_ =	strace s9  }
0x27: {  	s1 =	sld [smem:$0x3FAC]  }
0x28: {  	s2 =	sld [smem:$0x3FAD]  }
0x29: {  	s4 =	sld [smem:$0x3FAF]  }
0x2a: {  	p0 =	seq.s32 s5, $0x0;
	s5 =	sld [smem:$0x3FB0]  }
0x2b: {  	s6 =	sld [smem:$0x3FB1]  }
0x2c: {  	s7 =	sld [smem:$0x3FB2]  }
0x2d: {  	s3 =	simm.s32 $0x108;
	s8 =	sld [smem:$0x3FB3]  }
0x2e: {  	s3 =	simm.s32 @!p0 $0x1082;
	s9 =	sld [smem:$0x3FB4]  }
0x2f: {  	lr =	sadd.s32 s0, s3;
	s0 =	sld [smem:$0x3FAB]  }
0x30: {  	s3 =	sld [smem:$0x3FAE]  }
0x31: {  	[smem:$0x3FB7] =	sst s10  }
0x32: {  	s10 =	sld [smem:$0x3FB5];
	_ =	sdelay $0x3  }
0x33: {  	p0 =	seq.s32 s10, $0x1;
	s10 =	sld [smem:$0x3FB7];
	_ =	sdelay $0x3  }
0x34: {  	[smem:$0x3FB7] =	sst s10  }
0x35: {  	s10 =	sld [smem:$0x3FB6];
	_ =	sdelay $0x3  }
0x36: {  	p1 =	seq.s32 s10, $0x1;
	s10 =	sld [smem:$0x3FB7];
	_ =	sdelay $0x3  }
0x37: {  	[smem:$0x3FB7] =	sst s10  }
0x38: {  	s10 =	sld [smem:$0x3FB8]  }
0x39: {  	_ = 	snop;
	(pc) =	sbr.ind lr, $3  }
0x3a: {  	_ = 	snop  }
0x3b: {  	_ = 	snop  }
0x3c: {  	p2 =	seq.s32 s10, $0x1;
	s10 =	sld [smem:$0x3FB7]  }
0x3d: {  	_ =	shalt  }
0x3e: {  	_ =	shalt  }
0x3f: {  	_ =	shalt  }
0x40: {  	_ =	shalt  }
0x41: {  	_ =	shalt  }
0x42: {  	_ =	shalt  }
0x43: {  	_ =	shalt  }
0x44: {  	_ =	shalt  }
0x45: {  	_ =	shalt  }
0x46: {  	_ =	shalt  }
0x47: {  	_ =	shalt  }
0x48: {  	_ =	shalt  }
0x49: {  	_ =	shalt  }
0x4a: {  	_ =	shalt  }
0x4b: {  	_ =	shalt  }
0x4c: {  	_ =	shalt  }
0x4d: {  	_ =	shalt  }
0x4e: {  	_ =	shalt  }
0x4f: {  	_ =	shalt  }
0x50: {  	_ =	shalt  }
0x51: {  	_ =	shalt  }
0x52: {  	_ =	shalt  }
0x53: {  	_ =	shalt  }
0x54: {  	_ =	shalt  }
0x55: {  	_ =	shalt  }
0x56: {  	_ =	shalt  }
0x57: {  	_ =	shalt  }
0x58: {  	_ =	shalt  }
0x59: {  	_ =	shalt  }
0x5a: {  	_ =	shalt  }
0x5b: {  	_ =	shalt  }
0x5c: {  	_ =	shalt  }
0x5d: {  	_ =	shalt  }
0x5e: {  	_ =	shalt  }
0x5f: {  	_ =	shalt  }
0x60: {  	_ =	shalt  }
0x61: {  	_ =	shalt  }
0x62: {  	_ =	shalt  }
0x63: {  	_ =	shalt  }
0x64: {  	_ =	shalt  }
0x65: {  	_ =	shalt  }
0x66: {  	_ =	shalt  }
0x67: {  	_ =	shalt  }
0x68: {  	_ =	shalt  }
0x69: {  	_ =	shalt  }
0x6a: {  	_ =	shalt  }
0x6b: {  	_ =	shalt  }
0x6c: {  	_ =	shalt  }
0x6d: {  	_ =	shalt  }
0x6e: {  	_ =	shalt  }
0x6f: {  	_ =	shalt  }
0x70: {  	_ =	shalt  }
0x71: {  	_ =	shalt  }
0x72: {  	_ =	shalt  }
0x73: {  	_ =	shalt  }
0x74: {  	_ =	shalt  }
0x75: {  	_ =	shalt  }
0x76: {  	_ =	shalt  }
0x77: {  	_ =	shalt  }
0x78: {  	_ =	shalt  }
0x79: {  	_ =	shalt  }
0x7a: {  	_ =	shalt  }
0x7b: {  	_ =	shalt  }
0x7c: {  	_ =	shalt  }
0x7d: {  	_ =	shalt  }
0x7e: {  	_ =	shalt  }
0x7f: {  	_ =	shalt  }
0x80: {  	_ =	shalt  }
0x81: {  	_ =	shalt  }
0x82: {  	_ =	shalt  }
0x83: {  	_ =	shalt  }
0x84: {  	_ =	shalt  }
0x85: {  	_ =	shalt  }
0x86: {  	_ =	shalt  }
0x87: {  	_ =	shalt  }
.Lfunc_end0:
.L_simem_size_0:
called_computation_lowered:
.L_overlay_start_0:
0x88: {  	s2 =	sld [smem:$0x3FD9]  }
0x89: {  	s3 =	sld [smem:$0x3FFE];
	_ =	sdelay $0x1  }
0x8a: {  	s1 =	srdreg.scid  }
0x8b: {  	s0 =	sand.u32 $0x1, s1  }
0x8c: {  	s17 =	sshll.u32 s0, $0xA;
	s2 =	sadd.s32 s3, s2  }
0x8d: {  	s2 =	sadd.s32 s2, s17  }
0x8e: {  	[smem:$0x3FC3] =	sst s2  }
0x8f: {  	_ = 	snop  }
0x90: {  	s2 =	sld [smem:$0x3FD0];
	(tm) =	ssettm $0x1  }
0x91: {  	s18 =	sld [smem:$0x3FFB];
	_ =	sdelay $0x3  }
0x92: {  	_ =	strace s18  }
0x93: {  	s3 =	sld [smem:$0x3FFC];
	_ =	sdelay $0x3  }
0x94: {  	_ =	strace s3  }
0x95: {  	s3 =	sld [smem:$0x3FFD];
	_ =	sdelay $0x3  }
0x96: {  	_ =	strace s3  }
0x97: {  	_ =	strace $0x8FFFFFFF  }
0x98: {  	s19 =	sld [smem:$0x3FDB];
	_ =	sdelay $0x1  }
0x99: {  	s4 =	simm.s32 $_scs_section_size  }
0x9a: {  	s5 =	simm.s32 $_size__tile_overlayer_lowered;
	s6 =	simm.s32 $_tile_overlayer_lowered  }
0x9b: {  	s22 =	simm.s32 $0x1BFF;
	s21 =	sshll.u32 s6, $0x1;
	s3 =	sadd.s32 s4, s19  }
0x9c: {  	s7 =	simm.s32 $0x0;
	s20 =	sshll.u32 s5, $0x1;
	s5 =	sadd.s32 s21, s3  }
0x9d: {  	[timem:s7], [sflag:s22] =	dma.local [hbm:s5], s20  }
0x9e: {  	_ =	swait.ge [sflag:s22], s20  }
0x9f: {  	s4 =	ssub.s32 $0x0, s20;
	[sflag:s22] =	ssyncset.done $0x0  }
0xa0: {  	[sflag:s22] =	ssyncadd.s32 s4;
	_ =	sdelay $0x1  }
0xa1: {  	s23 =	simm.s32 $0x1B8B  }
0xa2: {  	_ =	swait.ge [sflag:s23], $0x1  }
0xa3: {  	[sflag:s23] =	ssyncset.done $0x0  }
0xa4: {  	s25 =	simm.s32 $0x1B8E;
	s24 =	sld [smem:$0x3FFE];
	[sflag:s23] =	ssyncadd.s32 $0xFFFFFFFF  }
0xa5: {  	s26 =	simm.s32 $execute0_lowered;
	[smem:$0x3FD2] =	sst s25  }
0xa6: {  	s5 =	sshll.u32 s26, $0x1;
	_ =	strace $0x80000046;
	[dreg:$0x1] =	wrdreg $0xFFFFFFFF  }
0xa7: {  	s28 =	simm.s32 $_size_execute0_lowered;
	s3 =	sadd.s32 s3, s5;
	[dreg:$0x0] =	wrdreg $0x0  }
0xa8: {  	s5 =	sshll.u32 s28, $0x1;
	[dreg:$0x2] =	wrdreg s3  }
0xa9: {  	[dreg:$0x3] =	wrdreg s5  }
0xaa: {  	[dreg:$0x4] =	wrdreg $0xC0  }
0xab: {  	_ =	task [dreg:s7], $0x5FFFF  }
0xac: {  	[dreg:$0x1] =	wrdreg $0xFFFFFFFF  }
0xad: {  	[dreg:$0x0] =	wrdreg $0x60  }
0xae: {  	[dreg:$0x2] =	wrdreg s24  }
0xaf: {  	[dreg:$0x3] =	wrdreg s2  }
0xb0: {  	[dreg:$0x4] =	wrdreg $0x20000  }
0xb1: {  	[dreg:$0x5] =	wrdreg $0x9  }
0xb2: {  	_ =	task.clear_ibuf [dreg:s7], $0x6FFFF;
	_ =	strace $0x90000046  }
0xb3: {  	s29 =	simm.s32 $0x9;
	_ =	strace $0x80000048  }
0xb4: {  	_ =	swait.ge [sflag:s29], $0x1  }
0xb5: {  	[sflag:s29] =	ssyncadd.s32 $0xFFFFFFFF  }
0xb6: {  	_ =	strace $0x90000048  }
0xb7: {  	_ =	sfence  }
0xb8: {  	s30 =	sld [smem:$0x0];
	_ =	sdelay $0x2  }
0xb9: {  	s31 =	sshll.u32 s1, $0xD;
	s1 =	sshrl.u32 s1, $0x2  }
0xba: {  	s3 =	sand.u32 $0x4000, s31;
	s1 =	sadd.s32 s1, s30  }
0xbb: {  	s0 =	sor.u32 s3, s0;
	s1 =	sshll.u32 s1, $0x11  }
0xbc: {  	s0 =	sor.u32 s1, s0  }
0xbd: {  	s0 =	sadd.s32 $0x8F2B, s0  }
0xbe: {  	[sflag:s0] =	ssyncadd.remote.s32 $0x1  }
0xbf: {  	_ =	sfence.sel $0xFFFF  }
0xc0: {  	[dreg:$0x0] =	wrdreg $0xFFFFFFFF;
	(pc) =	sbr.abs _section_cstart, $3  }
0xc1: {  	[dreg:$0x1] =	wrdreg $0xFFFFFFFF  }
0xc2: {  	_ =	task.clear_ibuf [dreg:s7], $0x2FFFF;
	_ =	strace $0x9FFFFFFF  }
0xc3: {  	(tm) =	ssettm $0x7FFFFFFF  }
tec
execute0_lowered:
.L_overlay_start_1:
0x0: {  	(tag) =	ssettag $0x1  }
0x1: {  	s0 =	rddreg [dreg:$0x0]  }
0x2: {  	s8 =	rddreg [dreg:$0x1]  }
0x3: {  	s1 =	rddreg [dreg:$0x2]  }
0x4: {  	s2 =	srdreg.scid;
	s10 =	stileid.u32;
	s12 =	simm.s32 $0x9  }
0x5: {  	s13 =	simm.s32 $0x80;
	s14 =	simm.s32 $0x6200;
	s16 =	simm.s32 $0xA200  }
0x6: {  	s18 =	simm.s32 $0xE200;
	s19 =	simm.s32 $0x1;
	s21 =	simm.s32 $0x12200  }
0x7: {  	s22 =	simm.s32 $0x2;
	s23 =	simm.s32 $0x5;
	s29 =	simm.s32 $0x4  }
0x8: {  	s30 =	simm.s32 $0x7;
	s15 =	simm.s32 $0x0;
	s9 =	sand.u32 $0x1, s2  }
0x9: {  	s2 =	simm.s32 $0x0;
	s3 =	sshll.u32 s10, $0xF;
	s24 =	sadd.s32 $0x1000, s0  }
0xa: {  	s31 =	sshll.u32 s10, $0x13;
	p0 =	sne.s32 s10, $0x0;
	s4 =	sshll.u32 s9, $0xE  }
0xb: {  	[smem:$0x7FF] =	sst s2;
	s6 =	ssub.s32 $0x2, s9;
	s11 =	sshll.u32 s9, $0x12  }
0xc: {  	s5 =	sor.u32 s4, s3;
	_ =	strace $0x80000047;
	s25 =	sshrl.u32 s6, $0x1  }
0xd: {  	[dreg:$0x4] =	wrdreg s24;
	s4 =	sshrl.u32 s5, $0x3;
	s6 =	ssub.s32 s6, s25  }
0xe: {  	s26 =	sshll.u32 s5, $0x4;
	s25 =	simm.s32 $0x3;
	s0 =	sadd.s32 s4, s0  }
.Ltmp0:
0xf: {  	s5 =	sadd.s32 s8, s26;
	s28 =	smax.u32 s6, $0x1;
	(pc) =	sbr.rel .LBB2_1-.Ltmp0, $4  }
0x10: {  	s26 =	simm.s32 $0x6;
	s0 =	sadd.s32 $0x1400, s0;
	[dreg:$0x6] =	wrdreg s28  }
0x11: {  	s7 =	sadd.s32 $0x800, s5;
	[dreg:$0x5] =	wrdreg s0;
	s0 =	sadd.s32 s31, s8  }
0x12: {  	s9 =	sadd.s32 $0x1800, s5;
	s8 =	sadd.s32 $0x1000, s5;
	s0 =	sadd.s32 s11, s0  }
0x13: {  	s11 =	simm.s32 $0x2200;
	s17 =	sadd.s32 $0x2000, s0;
	s0 =	simm.s32 $0x8  }
.LBB2_4:
0x14: {  	_ =	swait.ge [sflag:s23], $0x4000  }
0x15: {  	[sflag:s23] =	ssyncset.done $0x0  }
0x16: {  	[sflag:s23] =	ssyncadd.s32 $0xFFFFC000  }
0x17: {  	_ =	swait.ge [sflag:s26], $0x4000  }
0x18: {  	[sflag:s26] =	ssyncset.done $0x0  }
0x19: {  	[sflag:s26] =	ssyncadd.s32 $0xFFFFC000  }
0x1a: {  	_ =	swait.ge [sflag:s30], $0x4000  }
0x1b: {  	[sflag:s30] =	ssyncset.done $0x0  }
0x1c: {  	[sflag:s30] =	ssyncadd.s32 $0xFFFFC000  }
0x1d: {  	_ =	swait.ge [sflag:s0], $0x4000  }
0x1e: {  	s15 =	sadd.s32 $0x1, s15;
	s3 =	rddreg [dreg:$0x6]  }
0x1f: {  	p1 =	sne.s32 s15, s3  }
.Ltmp1:
0x20: {  	_ = 	snop;
	(pc) =	sbr.rel @!p1 .LBB2_5-.Ltmp1, $3  }
0x21: {  	_ =	sdelay $0x1  }
0x22: {  	[sflag:s0] =	ssyncset.done $0x0  }
0x23: {  	[sflag:s0] =	ssyncadd.s32 $0xFFFFC000  }
.LBB2_1:
0x24: {  	s3 =	rddreg [dreg:$0x5]  }
0x25: {  	[tilespmem:s11], [sflag:$0x9] =	stream.linear.gather [hbm4b:s3+s2], $0x4000, $0x38;
	[tilespmem:$0x16200] =	vst v63  }
0x26: {  	s10 =	simm.s32 @!p0 $0x0;
	s20 =	simm.s32 @!p0 $0xA;
	s3 =	rddreg [dreg:$0x4]  }
0x27: {  	[tilespmem:s10], [sflag:$0xA] =	stream.linear.gather @!p0 [hbm4b:s3+s10], $0x2000, $0x38;
	[tilespmem:$0x16200] =	vst v63  }
0x28: {  	_ =	swait.ge @!p0 [sflag:s20], $0x2000  }
0x29: {  	[sflag:s20] =	ssyncset.done @!p0 $0x0  }
0x2a: {  	[sflag:s20] =	ssyncadd.s32 @!p0 $0xFFFFE000  }
0x2b: {  	[spmem:s1] =	stream.linear.scatter @!p0 [tilespmem:s10], [sflag:$0xA], $0x2000, $0x38;
	[tilespmem:$0x16200] =	vst v63  }
0x2c: {  	_ =	swait.ge @!p0 [sflag:s20], $0x2000  }
0x2d: {  	[sflag:s20] =	ssyncset.done @!p0 $0x0  }
0x2e: {  	[sflag:s20] =	ssyncadd.s32 @!p0 $0xFFFFE000  }
0x2f: {  	[bflag:$0x0] =	sbarrier.arrive $0xFFFF  }
0x30: {  	_ =	swait.ge [sflag:s12], $0x4000  }
0x31: {  	[sflag:s12] =	ssyncset.done $0x0  }
0x32: {  	[sflag:s12] =	ssyncadd.s32 $0xFFFFC000  }
0x33: {  	[tilespmem:s14], [sflag:$0x1] =	stream.indirect.gather [spmem:s1], $0x80, s11, s13, $0xb8;
	[tilespmem:$0x16200] =	vst v63  }
0x34: {  	s6 =	simm.s32 $0x2280  }
0x35: {  	[tilespmem:s16], [sflag:$0x2] =	stream.indirect.gather [spmem:s1], $0x80, s6, s13, $0xb8;
	[tilespmem:$0x16200] =	vst v63  }
0x36: {  	s10 =	simm.s32 $0x2300  }
0x37: {  	[tilespmem:s18], [sflag:$0x3] =	stream.indirect.gather [spmem:s1], $0x80, s10, s13, $0xb8;
	[tilespmem:$0x16200] =	vst v63  }
0x38: {  	_ =	swait.ge [sflag:s19], $0x4000  }
0x39: {  	[sflag:s19] =	ssyncset.done $0x0  }
0x3a: {  	[sflag:s19] =	ssyncadd.s32 $0xFFFFC000  }
0x3b: {  	[hbm4b:s5+s2] =	stream.linear.scatter [tilespmem:s14], [sflag:$0x5], $0x4000, $0x38;
	[tilespmem:$0x16200] =	vst v63  }
0x3c: {  	s20 =	simm.s32 $0x2380  }
0x3d: {  	[tilespmem:s21], [sflag:$0x4] =	stream.indirect.gather [spmem:s1], $0x80, s20, s13, $0xb8;
	[tilespmem:$0x16200] =	vst v63  }
0x3e: {  	_ =	swait.ge [sflag:s22], $0x4000  }
0x3f: {  	[sflag:s22] =	ssyncset.done $0x0  }
0x40: {  	[sflag:s22] =	ssyncadd.s32 $0xFFFFC000  }
0x41: {  	[hbm4b:s7+s2] =	stream.linear.scatter [tilespmem:s16], [sflag:$0x6], $0x4000, $0x38;
	[tilespmem:$0x16200] =	vst v63  }
0x42: {  	_ =	swait.ge [sflag:s23], $0x4000  }
0x43: {  	[sflag:s23] =	ssyncset.done $0x0  }
0x44: {  	s24 =	simm.s32 $0x2400;
	[sflag:s23] =	ssyncadd.s32 $0xFFFFC000  }
0x45: {  	[tilespmem:s14], [sflag:$0x1] =	stream.indirect.gather [spmem:s1], $0x80, s24, s13, $0xb8;
	[tilespmem:$0x16200] =	vst v63  }
0x46: {  	_ =	swait.ge [sflag:s25], $0x4000  }
0x47: {  	[sflag:s25] =	ssyncset.done $0x0  }
0x48: {  	[sflag:s25] =	ssyncadd.s32 $0xFFFFC000  }
0x49: {  	[hbm4b:s8+s2] =	stream.linear.scatter [tilespmem:s18], [sflag:$0x7], $0x4000, $0x38;
	[tilespmem:$0x16200] =	vst v63  }
0x4a: {  	_ =	swait.ge [sflag:s26], $0x4000  }
0x4b: {  	[sflag:s26] =	ssyncset.done $0x0  }
0x4c: {  	s28 =	simm.s32 $0x2480;
	[sflag:s26] =	ssyncadd.s32 $0xFFFFC000  }
0x4d: {  	[tilespmem:s16], [sflag:$0x2] =	stream.indirect.gather [spmem:s1], $0x80, s28, s13, $0xb8;
	[tilespmem:$0x16200] =	vst v63  }
0x4e: {  	_ =	swait.ge [sflag:s29], $0x4000  }
0x4f: {  	[sflag:s29] =	ssyncset.done $0x0  }
0x50: {  	[sflag:s29] =	ssyncadd.s32 $0xFFFFC000  }
0x51: {  	[hbm4b:s9+s2] =	stream.linear.scatter [tilespmem:s21], [sflag:$0x8], $0x4000, $0x38;
	[tilespmem:$0x16200] =	vst v63  }
0x52: {  	_ =	swait.ge [sflag:s30], $0x4000  }
0x53: {  	s31 =	simm.s32 $0x2500;
	[sflag:s30] =	ssyncset.done $0x0  }
0x54: {  	s10 =	smov.u32 s17;
	s20 =	simm.s32 $0x0;
	[sflag:s30] =	ssyncadd.s32 $0xFFFFC000  }
0x55: {  	[tilespmem:s18], [sflag:$0x3] =	stream.indirect.gather [spmem:s1], $0x80, s31, s13, $0xb8;
	[tilespmem:$0x16200] =	vst v63  }
.LBB2_2:
0x56: {  	_ =	swait.ge [sflag:s19], $0x4000  }
0x57: {  	[sflag:s19] =	ssyncset.done $0x0  }
0x58: {  	[sflag:s19] =	ssyncadd.s32 $0xFFFFC000  }
0x59: {  	[hbm4b:s10+s2] =	stream.linear.scatter [tilespmem:s14], [sflag:$0x5], $0x4000, $0x38;
	[tilespmem:$0x16200] =	vst v63  }
0x5a: {  	_ =	swait.ge [sflag:s0], $0x4000  }
0x5b: {  	s24 =	sshra.s32 s20, $0x2;
	[sflag:s0] =	ssyncset.done $0x0  }
0x5c: {  	s28 =	sadd.s32 $0x2580, s24;
	[sflag:s0] =	ssyncadd.s32 $0xFFFFC000  }
0x5d: {  	[tilespmem:s21], [sflag:$0x4] =	stream.indirect.gather [spmem:s1], $0x80, s28, s13, $0xb8;
	[tilespmem:$0x16200] =	vst v63  }
0x5e: {  	_ =	swait.ge [sflag:s22], $0x4000  }
0x5f: {  	p1 =	seq.s32 s20, $0xF000;
	[sflag:s22] =	ssyncset.done $0x0  }
0x60: {  	s6 =	sadd.s32 $0x800, s10;
	s28 =	simm.s32 @p1 $0x3;
	[sflag:s22] =	ssyncadd.s32 $0xFFFFC000  }
0x61: {  	[hbm4b:s6+s2] =	stream.linear.scatter [tilespmem:s16], [sflag:$0x6], $0x4000, $0x38;
	[tilespmem:$0x16200] =	vst v63  }
0x62: {  	_ =	swait.ge @p1 [sflag:s28], $0x4000  }
0x63: {  	s31 =	simm.s32 @p1 $0x0;
	[sflag:s28] =	ssyncset.done @p1 $0x0  }
0x64: {  	s3 =	simm.s32 @p1 $0xE200;
	[sflag:s28] =	ssyncadd.s32 @p1 $0xFFFFC000;
	s28 =	sadd.s32 @p1 $0x1000, s10  }
0x65: {  	[hbm4b:s28+s31] =	stream.linear.scatter @p1 [tilespmem:s3], [sflag:$0x7], $0x4000, $0x38;
	[tilespmem:$0x16200] =	vst v63  }
0x66: {  	s3 =	simm.s32 @!p1 $0x5  }
0x67: {  	_ =	swait.ge @!p1 [sflag:s3], $0x4000  }
0x68: {  	[sflag:s3] =	ssyncset.done @!p1 $0x0  }
0x69: {  	[sflag:s3] =	ssyncadd.s32 @!p1 $0xFFFFC000;
	s3 =	sshra.s32 @!p1 s20, $0x2  }
0x6a: {  	s4 =	simm.s32 @!p1 $0x6200;
	s31 =	simm.s32 @!p1 $0x80;
	s28 =	sadd.s32 @!p1 $0x2600, s3  }
0x6b: {  	[tilespmem:s4], [sflag:$0x1] =	stream.indirect.gather @!p1 [spmem:s1], $0x80, s28, s31, $0xb8;
	[tilespmem:$0x16200] =	vst v63  }
0x6c: {  	s4 =	simm.s32 @!p1 $0x3  }
0x6d: {  	_ =	swait.ge @!p1 [sflag:s4], $0x4000  }
0x6e: {  	s6 =	simm.s32 @!p1 $0xE200;
	[sflag:s4] =	ssyncset.done @!p1 $0x0  }
0x6f: {  	s28 =	simm.s32 @!p1 $0x0;
	[sflag:s4] =	ssyncadd.s32 @!p1 $0xFFFFC000;
	s4 =	sadd.s32 @!p1 $0x1000, s10  }
0x70: {  	[hbm4b:s4+s28] =	stream.linear.scatter @!p1 [tilespmem:s6], [sflag:$0x7], $0x4000, $0x38;
	[tilespmem:$0x16200] =	vst v63  }
0x71: {  	s4 =	simm.s32 @!p1 $0x6  }
0x72: {  	_ =	swait.ge @!p1 [sflag:s4], $0x4000  }
0x73: {  	[sflag:s4] =	ssyncset.done @!p1 $0x0  }
0x74: {  	s3 =	sadd.s32 @!p1 $0x2680, s3;
	[sflag:s4] =	ssyncadd.s32 @!p1 $0xFFFFC000;
	s4 =	simm.s32 @!p1 $0xA200  }
0x75: {  	[tilespmem:s4], [sflag:$0x2] =	stream.indirect.gather @!p1 [spmem:s1], $0x80, s3, s31, $0xb8;
	[tilespmem:$0x16200] =	vst v63  }
.Ltmp2:
0x76: {  	_ = 	snop;
	(pc) =	sbr.rel @p1 .LBB2_4-.Ltmp2, $4  }
0x77: {  	_ =	swait.ge [sflag:s29], $0x4000  }
0x78: {  	[sflag:s29] =	ssyncset.done $0x0  }
0x79: {  	s31 =	sadd.s32 $0x1800, s10;
	[sflag:s29] =	ssyncadd.s32 $0xFFFFC000  }
0x7a: {  	[hbm4b:s31+s2] =	stream.linear.scatter [tilespmem:s21], [sflag:$0x8], $0x4000, $0x38;
	[tilespmem:$0x16200] =	vst v63  }
.Ltmp3:
0x7b: {  	(pc) =	sbr.rel .LBB2_2-.Ltmp3, $4  }
0x7c: {  	_ =	swait.ge [sflag:s30], $0x4000  }
0x7d: {  	s3 =	sadd.s32 $0x2700, s24;
	[sflag:s30] =	ssyncset.done $0x0  }
0x7e: {  	s20 =	sadd.s32 $0x800, s20;
	s10 =	sadd.s32 $0x2000, s10;
	[sflag:s30] =	ssyncadd.s32 $0xFFFFC000  }
0x7f: {  	[tilespmem:s18], [sflag:$0x3] =	stream.indirect.gather [spmem:s1], $0x80, s3, s13, $0xb8;
	[tilespmem:$0x16200] =	vst v63  }
.LBB2_5:
0x80: {  	_ =	sfence.sel $0x180000  }
0x81: {  	[bflag:$0x0] =	sbarrier.arrive $0xFFFF  }
0x82: {  	_ =	strace $0x90000047  }
0x83: {  	[bflag:$0x2] =	sbarrier.arrive $0xFFFF  }
0x84: {  	s0 =	rddreg [dreg:$0x3]  }
0x85: {  	s0 =	sadd.s32 @!p0 $0x100000, s0  }
0x86: {  	[sflag:s0] =	ssyncadd.tile.s32 @!p0 $0x1;
	_ =	shalt  }
.Lfunc_end2:
_tile_overlayer_lowered:
.L_overlay_start_2:
0x87: {  	(tag) =	ssettag $0x2  }
0x88: {  	s0 =	rddreg [dreg:$0x0];
	s2 =	stileid.u32  }
0x89: {  	s1 =	rddreg [dreg:$0x1];
	p0 =	sne.s32 s2, $0x0  }
0x8a: {  	s3 =	rddreg [dreg:$0x2];
	[bflag:$0x3] =	sbarrier.arrive $0xFFFF;
	s2 =	simm.s32 @!p0 $0x1C0A  }
0x8b: {  	[timem:s3], [sflag:s2] =	dma.local @!p0 [hbm:s0], s1  }
0x8c: {  	s0 =	simm.s32 @!p0 $0xA  }
0x8d: {  	_ =	swait.ge @!p0 [sflag:s0], s1  }
0x8e: {  	s1 =	ssub.s32 @!p0 $0x0, s1;
	[sflag:s0] =	ssyncset.done @!p0 $0x0  }
0x8f: {  	[sflag:s0] =	ssyncadd.s32 @!p0 s1  }
0x90: {  	[bflag:$0x3] =	sbarrier.arrive $0xFFFF  }
0x91: {  	_ =	shalt  }

</sc_bundles>
